<compile_context>
chip_gen: v7x
topology: tpu7x:2x2x1
jax: 0.10.2.dev20260603
libtpu: 0.0.44.dev20260713+nightly
codegen_flags: <defaults>
</compile_context>

<pallas_src>
import jax
import jax.numpy as jnp
from jax import lax
from jax.experimental import pallas as pl
from jax.experimental.pallas import tpu as pltpu
from jax.experimental.pallas import tpu_sc as plsc

NUM_HEADS = 16
MAX_DIST = 128
S = 2048
LANES = 16
NCLS = 50
CPAD = 576
ROWT = S // 8
COLT = S // 128
INFLIGHT = 32


def _rpb_body(cols_hbm, out_hbm, col_v, tiles_v, sem):
    c = lax.axis_index("c")
    s = lax.axis_index("s")
    h = s

    pltpu.sync_copy(cols_hbm.at[pl.ds(h * CPAD, CPAD)], col_v)

    def build_body(n, carry):
        cls = n // 64 - 32
        i = (n // 8) % 8
        jj = n % 8
        vals = col_v[pl.ds(288 + 8 * cls - i + jj * LANES, LANES)]
        tiles_v[n // 64, i, pl.ds(jj * LANES, LANES)] = vals
        return carry

    lax.fori_loop(0, NCLS * 64, build_body, 0)

    n_tiles = (ROWT // 2) * COLT

    def issue(n):
        b = n % COLT
        a = c + 2 * (n // COLT)
        cls_idx = jnp.clip(16 * b - a, -32, 17) + 32
        pltpu.async_copy(
            tiles_v.at[cls_idx],
            out_hbm.at[0, h,
                       pl.ds(pl.multiple_of(a * 8, 8), 8),
                       pl.ds(pl.multiple_of(b * 128, 128), 128)],
            sem,
        )

    def drain():
        pltpu.make_async_copy(
            out_hbm.at[0, 0, pl.ds(0, 8), pl.ds(0, 128)], tiles_v.at[0], sem
        ).wait()

    def prime_body(n, carry):
        issue(n)
        return carry

    def steady_body(n, carry):
        issue(n)
        drain()
        return carry

    def tail_body(n, carry):
        drain()
        return carry

    lax.fori_loop(0, INFLIGHT, prime_body, 0)
    lax.fori_loop(INFLIGHT, n_tiles, steady_body, 0)
    lax.fori_loop(0, INFLIGHT, tail_body, 0)


def kernel(seq_length, table):
    del seq_length
    cols = jnp.pad(table.T, ((0, 0), (160, CPAD - 160 - (2 * MAX_DIST + 1))),
                   mode="edge").reshape(-1)
    mesh = plsc.VectorSubcoreMesh(core_axis_name="c", subcore_axis_name="s")
    f = pl.kernel(
        _rpb_body,
        mesh=mesh,
        out_type=jax.ShapeDtypeStruct((1, NUM_HEADS, S, S), jnp.float32),
        scratch_types=[
            pltpu.VMEM((CPAD,), jnp.float32),
            pltpu.VMEM((NCLS, 8, 128), jnp.float32),
            pltpu.SemaphoreType.DMA,
        ],
        compiler_params=pltpu.CompilerParams(use_tc_tiling_on_sc=True),
    )
    return f(cols)

# --- scband reference (transcript-rebuilt; emitter-appended) ---
"""Pipeline reference for scband-relative-position-bias-74552042324377 (READ-ONLY COPY).

The authoritative reference and input builder live on the scoring server;
editing this copy changes nothing except your own understanding.
"""

import jax, jax.numpy as jnp
import numpy as np

NUM_HEADS = 16
MAX_DISTANCE = 128
SEQ_LENGTH = 2048

def setup_inputs(seed: int = 0) -> dict:
    key = jax.random.key(seed)
    table = jax.random.normal(key, (2 * MAX_DISTANCE + 1, NUM_HEADS), dtype=jnp.float32)
    return {"seq_length": 2048, "table": table}

def reference(seq_length, table):
    offset = jnp.asarray(seq_length, dtype=jnp.int32) - SEQ_LENGTH
    q_pos = jnp.arange(SEQ_LENGTH, dtype=jnp.int32) + offset
    k_pos = jnp.arange(SEQ_LENGTH, dtype=jnp.int32) + offset
    relative_position = k_pos[None, :] - q_pos[:, None]
    clipped = jnp.clip(relative_position, -MAX_DISTANCE, MAX_DISTANCE)
    indices = clipped + MAX_DISTANCE
    bias = jnp.take(table, indices, axis=0)  # [S, S, H]
    bias = jnp.transpose(bias, (2, 0, 1))[None, :, :, :]  # [1, H, S, S]
    return bias

if __name__ == "__main__":
    import jax
    _d = setup_inputs()
    print(jax.jit(kernel)(*tuple(_d.values())))

</pallas_src>

<mosaic_0001>
#map = affine_map<(d0, d1) -> (0)>
#map1 = affine_map<(d0, d1) -> (0, 0, 0, 0)>
module attributes {stable_mosaic.version = 14 : i64} {
  func.func @_rpb_body(%arg0: i32, %arg1: i32, %arg2: memref<9216xf32, #tpu.memory_space<hbm>>, %arg3: memref<1x16x2048x2048xf32, #tpu.memory_space<hbm>>, %arg4: memref<576xf32, #tpu.memory_space<vmem>>, %arg5: memref<50x8x128xf32, #tpu.memory_space<vmem>>, %arg6: memref<!tpu.dma_semaphore, #tpu.memory_space<semaphore_mem>>) attributes {dimension_semantics = [#tpu.dimension_semantics<core_parallel>, #tpu.dimension_semantics<subcore_parallel>], iteration_bounds = array<i64: 2, 16>, scalar_prefetch = 0 : i64, scratch_operands = 3 : i64, tpu.core_type = #tpu.core_type<sc_vector_subcore>, window_params = [{transform_indices = #map}, {transform_indices = #map1}]} {
    %mul3A = arith.constant 576 : i32
    %mul3A_0 = arith.muli %arg1, %mul3A : i32
    "tpu.region"() ({
      %run_scoped3A = tpu.sem_alloc : memref<!tpu.dma_semaphore, #tpu.memory_space<semaphore_mem>>
      %dma_start3A = tpu.memref_slice %arg2[%mul3A_0] : memref<9216xf32, #tpu.memory_space<hbm>> -> memref<576xf32, #tpu.memory_space<hbm>>
      %dma_start3A_24 = tpu.memref_slice %arg2[%mul3A_0] : memref<9216xf32, #tpu.memory_space<hbm>> -> memref<576xf32, #tpu.memory_space<hbm>>
      tpu.enqueue_dma source(%dma_start3A_24 : memref<576xf32, #tpu.memory_space<hbm>>) target(%arg4 : memref<576xf32, #tpu.memory_space<vmem>>) target_semaphore(%run_scoped3A : memref<!tpu.dma_semaphore, #tpu.memory_space<semaphore_mem>>)
      %dma_wait3A = tpu.memref_slice %arg2[%mul3A_0] : memref<9216xf32, #tpu.memory_space<hbm>> -> memref<576xf32, #tpu.memory_space<hbm>>
      %dma_wait3A_25 = tpu.memref_slice %arg2[%mul3A_0] : memref<9216xf32, #tpu.memory_space<hbm>> -> memref<576xf32, #tpu.memory_space<hbm>>
      tpu.wait_dma2 semaphore(%run_scoped3A : memref<!tpu.dma_semaphore, #tpu.memory_space<semaphore_mem>>) src(%dma_wait3A_25 : memref<576xf32, #tpu.memory_space<hbm>>) dst(%arg4 : memref<576xf32, #tpu.memory_space<vmem>>)
      tpu.yield
    }) : () -> ()
    %scan3A = arith.constant 0 : i32
    %scan3A_1 = arith.constant 0 : i32
    %scan3A_2 = arith.constant 3200 : i32
    %scan3A_3 = arith.addi %scan3A_1, %scan3A_2 : i32
    %scan3A_4 = arith.constant 1 : i32
    scf.for %scan3A_24 = %scan3A_1 to %scan3A_3 step %scan3A_4  : i32 {
      %jit3A = arith.constant 64 : i32
      %div3A = arith.divsi %scan3A_24, %jit3A : i32
      %sign3A = arith.constant 0 : i32
      %sign3A_25 = arith.cmpi sgt, %scan3A_24, %sign3A : i32
      %sign3A_26 = arith.extui %sign3A_25 : i1 to i32
      %sign3A_27 = arith.constant 0 : i32
      %sign3A_28 = arith.cmpi slt, %scan3A_24, %sign3A_27 : i32
      %sign3A_29 = arith.extui %sign3A_28 : i1 to i32
      %sign3A_30 = arith.subi %sign3A_26, %sign3A_29 : i32
      %sign3A_31 = arith.constant 0 : i32
      %sign3A_32 = arith.cmpi sgt, %jit3A, %sign3A_31 : i32
      %sign3A_33 = arith.extui %sign3A_32 : i1 to i32
      %sign3A_34 = arith.constant 0 : i32
      %sign3A_35 = arith.cmpi slt, %jit3A, %sign3A_34 : i32
      %sign3A_36 = arith.extui %sign3A_35 : i1 to i32
      %sign3A_37 = arith.subi %sign3A_33, %sign3A_36 : i32
      %ne3A = arith.cmpi ne, %sign3A_30, %sign3A_37 : i32
      %rem3A = arith.remsi %scan3A_24, %jit3A : i32
      %ne3A_38 = arith.constant 0 : i32
      %ne3A_39 = arith.cmpi ne, %rem3A, %ne3A_38 : i32
      %and3A = arith.andi %ne3A, %ne3A_39 : i1
      %sub3A = arith.constant 1 : i32
      %sub3A_40 = arith.subi %div3A, %sub3A : i32
      %select_n3A = arith.select %and3A, %sub3A_40, %div3A : i32
      %sub3A_41 = arith.constant 32 : i32
      %sub3A_42 = arith.subi %select_n3A, %sub3A_41 : i32
      %jit3A_43 = arith.constant 8 : i32
      %div3A_44 = arith.divsi %scan3A_24, %jit3A_43 : i32
      %sign3A_45 = arith.constant 0 : i32
      %sign3A_46 = arith.cmpi sgt, %scan3A_24, %sign3A_45 : i32
      %sign3A_47 = arith.extui %sign3A_46 : i1 to i32
      %sign3A_48 = arith.constant 0 : i32
      %sign3A_49 = arith.cmpi slt, %scan3A_24, %sign3A_48 : i32
      %sign3A_50 = arith.extui %sign3A_49 : i1 to i32
      %sign3A_51 = arith.subi %sign3A_47, %sign3A_50 : i32
      %sign3A_52 = arith.constant 0 : i32
      %sign3A_53 = arith.cmpi sgt, %jit3A_43, %sign3A_52 : i32
      %sign3A_54 = arith.extui %sign3A_53 : i1 to i32
      %sign3A_55 = arith.constant 0 : i32
      %sign3A_56 = arith.cmpi slt, %jit3A_43, %sign3A_55 : i32
      %sign3A_57 = arith.extui %sign3A_56 : i1 to i32
      %sign3A_58 = arith.subi %sign3A_54, %sign3A_57 : i32
      %ne3A_59 = arith.cmpi ne, %sign3A_51, %sign3A_58 : i32
      %rem3A_60 = arith.remsi %scan3A_24, %jit3A_43 : i32
      %ne3A_61 = arith.constant 0 : i32
      %ne3A_62 = arith.cmpi ne, %rem3A_60, %ne3A_61 : i32
      %and3A_63 = arith.andi %ne3A_59, %ne3A_62 : i1
      %sub3A_64 = arith.constant 1 : i32
      %sub3A_65 = arith.subi %div3A_44, %sub3A_64 : i32
      %select_n3A_66 = arith.select %and3A_63, %sub3A_65, %div3A_44 : i32
      %jit3A_67 = arith.constant 8 : i32
      %eq3A = arith.constant 0 : i32
      %eq3A_68 = arith.cmpi eq, %jit3A_67, %eq3A : i32
      %jit3A_69 = arith.constant 1 : i32
      %select_n3A_70 = arith.select %eq3A_68, %jit3A_69, %jit3A_67 : i32
      %rem3A_71 = arith.remsi %select_n3A_66, %select_n3A_70 : i32
      %ne3A_72 = arith.constant 0 : i32
      %ne3A_73 = arith.cmpi ne, %rem3A_71, %ne3A_72 : i32
      %lt3A = arith.constant 0 : i32
      %lt3A_74 = arith.cmpi slt, %rem3A_71, %lt3A : i32
      %lt3A_75 = arith.constant 0 : i32
      %lt3A_76 = arith.cmpi slt, %select_n3A_70, %lt3A_75 : i32
      %ne3A_77 = arith.xori %lt3A_74, %lt3A_76 : i1
      %and3A_78 = arith.andi %ne3A_77, %ne3A_73 : i1
      %add3A = arith.addi %rem3A_71, %select_n3A_70 : i32
      %select_n3A_79 = arith.select %and3A_78, %add3A, %rem3A_71 : i32
      %jit3A_80 = arith.constant 8 : i32
      %eq3A_81 = arith.constant 0 : i32
      %eq3A_82 = arith.cmpi eq, %jit3A_80, %eq3A_81 : i32
      %jit3A_83 = arith.constant 1 : i32
      %select_n3A_84 = arith.select %eq3A_82, %jit3A_83, %jit3A_80 : i32
      %rem3A_85 = arith.remsi %scan3A_24, %select_n3A_84 : i32
      %ne3A_86 = arith.constant 0 : i32
      %ne3A_87 = arith.cmpi ne, %rem3A_85, %ne3A_86 : i32
      %lt3A_88 = arith.constant 0 : i32
      %lt3A_89 = arith.cmpi slt, %rem3A_85, %lt3A_88 : i32
      %lt3A_90 = arith.constant 0 : i32
      %lt3A_91 = arith.cmpi slt, %select_n3A_84, %lt3A_90 : i32
      %ne3A_92 = arith.xori %lt3A_89, %lt3A_91 : i1
      %and3A_93 = arith.andi %ne3A_92, %ne3A_87 : i1
      %add3A_94 = arith.addi %rem3A_85, %select_n3A_84 : i32
      %select_n3A_95 = arith.select %and3A_93, %add3A_94, %rem3A_85 : i32
      %mul3A_96 = arith.constant 8 : i32
      %mul3A_97 = arith.muli %mul3A_96, %sub3A_42 : i32
      %add3A_98 = arith.constant 288 : i32
      %add3A_99 = arith.addi %add3A_98, %mul3A_97 : i32
      %sub3A_100 = arith.subi %add3A_99, %select_n3A_79 : i32
      %mul3A_101 = arith.constant 16 : i32
      %mul3A_102 = arith.muli %select_n3A_95, %mul3A_101 : i32
      %add3A_103 = arith.addi %sub3A_100, %mul3A_102 : i32
      %get3A = arith.index_cast %add3A_103 : i32 to index
      %get3A_104 = tpu.vector_load %arg4[%get3A] {strides = array<i32>} : memref<576xf32, #tpu.memory_space<vmem>>, vector<16xf32>,
      %get3A_105 = vector.shape_cast %get3A_104 : vector<16xf32> to vector<16xf32>
      %jit3A_106 = arith.constant 64 : i32
      %div3A_107 = arith.divsi %scan3A_24, %jit3A_106 : i32
      %sign3A_108 = arith.constant 0 : i32
      %sign3A_109 = arith.cmpi sgt, %scan3A_24, %sign3A_108 : i32
      %sign3A_110 = arith.extui %sign3A_109 : i1 to i32
      %sign3A_111 = arith.constant 0 : i32
      %sign3A_112 = arith.cmpi slt, %scan3A_24, %sign3A_111 : i32
      %sign3A_113 = arith.extui %sign3A_112 : i1 to i32
      %sign3A_114 = arith.subi %sign3A_110, %sign3A_113 : i32
      %sign3A_115 = arith.constant 0 : i32
      %sign3A_116 = arith.cmpi sgt, %jit3A_106, %sign3A_115 : i32
      %sign3A_117 = arith.extui %sign3A_116 : i1 to i32
      %sign3A_118 = arith.constant 0 : i32
      %sign3A_119 = arith.cmpi slt, %jit3A_106, %sign3A_118 : i32
      %sign3A_120 = arith.extui %sign3A_119 : i1 to i32
      %sign3A_121 = arith.subi %sign3A_117, %sign3A_120 : i32
      %ne3A_122 = arith.cmpi ne, %sign3A_114, %sign3A_121 : i32
      %rem3A_123 = arith.remsi %scan3A_24, %jit3A_106 : i32
      %ne3A_124 = arith.constant 0 : i32
      %ne3A_125 = arith.cmpi ne, %rem3A_123, %ne3A_124 : i32
      %and3A_126 = arith.andi %ne3A_122, %ne3A_125 : i1
      %sub3A_127 = arith.constant 1 : i32
      %sub3A_128 = arith.subi %div3A_107, %sub3A_127 : i32
      %select_n3A_129 = arith.select %and3A_126, %sub3A_128, %div3A_107 : i32
      %mul3A_130 = arith.constant 16 : i32
      %mul3A_131 = arith.muli %select_n3A_95, %mul3A_130 : i32
      %swap3A = arith.index_cast %select_n3A_129 : i32 to index
      %swap3A_132 = arith.index_cast %select_n3A_79 : i32 to index
      %swap3A_133 = arith.index_cast %mul3A_131 : i32 to index
      %swap3A_134 = tpu.vector_load %arg5[%swap3A, %swap3A_132, %swap3A_133] {strides = array<i32>} : memref<50x8x128xf32, #tpu.memory_space<vmem>>, vector<1x1x16xf32>,
      %swap3A_135 = vector.shape_cast %swap3A_134 : vector<1x1x16xf32> to vector<16xf32>
      %swap3A_136 = vector.shape_cast %get3A_105 : vector<16xf32> to vector<1x1x16xf32>
      tpu.vector_store %arg5[%swap3A, %swap3A_132, %swap3A_133], %swap3A_136 {strides = array<i32>} : memref<50x8x128xf32, #tpu.memory_space<vmem>>, vector<1x1x16xf32>,
    }
    %scan3A_5 = arith.constant 3200 : i32
    %scan3A_6 = arith.constant 0 : i32
    %scan3A_7 = arith.constant 0 : i32
    %scan3A_8 = arith.constant 32 : i32
    %scan3A_9 = arith.addi %scan3A_7, %scan3A_8 : i32
    %scan3A_10 = arith.constant 1 : i32
    scf.for %scan3A_24 = %scan3A_7 to %scan3A_9 step %scan3A_10  : i32 {
      %jit3A = arith.constant 16 : i32
      %eq3A = arith.constant 0 : i32
      %eq3A_25 = arith.cmpi eq, %jit3A, %eq3A : i32
      %jit3A_26 = arith.constant 1 : i32
      %select_n3A = arith.select %eq3A_25, %jit3A_26, %jit3A : i32
      %rem3A = arith.remsi %scan3A_24, %select_n3A : i32
      %ne3A = arith.constant 0 : i32
      %ne3A_27 = arith.cmpi ne, %rem3A, %ne3A : i32
      %lt3A = arith.constant 0 : i32
      %lt3A_28 = arith.cmpi slt, %rem3A, %lt3A : i32
      %lt3A_29 = arith.constant 0 : i32
      %lt3A_30 = arith.cmpi slt, %select_n3A, %lt3A_29 : i32
      %ne3A_31 = arith.xori %lt3A_28, %lt3A_30 : i1
      %and3A = arith.andi %ne3A_31, %ne3A_27 : i1
      %add3A = arith.addi %rem3A, %select_n3A : i32
      %select_n3A_32 = arith.select %and3A, %add3A, %rem3A : i32
      %jit3A_33 = arith.constant 16 : i32
      %div3A = arith.divsi %scan3A_24, %jit3A_33 : i32
      %sign3A = arith.constant 0 : i32
      %sign3A_34 = arith.cmpi sgt, %scan3A_24, %sign3A : i32
      %sign3A_35 = arith.extui %sign3A_34 : i1 to i32
      %sign3A_36 = arith.constant 0 : i32
      %sign3A_37 = arith.cmpi slt, %scan3A_24, %sign3A_36 : i32
      %sign3A_38 = arith.extui %sign3A_37 : i1 to i32
      %sign3A_39 = arith.subi %sign3A_35, %sign3A_38 : i32
      %sign3A_40 = arith.constant 0 : i32
      %sign3A_41 = arith.cmpi sgt, %jit3A_33, %sign3A_40 : i32
      %sign3A_42 = arith.extui %sign3A_41 : i1 to i32
      %sign3A_43 = arith.constant 0 : i32
      %sign3A_44 = arith.cmpi slt, %jit3A_33, %sign3A_43 : i32
      %sign3A_45 = arith.extui %sign3A_44 : i1 to i32
      %sign3A_46 = arith.subi %sign3A_42, %sign3A_45 : i32
      %ne3A_47 = arith.cmpi ne, %sign3A_39, %sign3A_46 : i32
      %rem3A_48 = arith.remsi %scan3A_24, %jit3A_33 : i32
      %ne3A_49 = arith.constant 0 : i32
      %ne3A_50 = arith.cmpi ne, %rem3A_48, %ne3A_49 : i32
      %and3A_51 = arith.andi %ne3A_47, %ne3A_50 : i1
      %sub3A = arith.constant 1 : i32
      %sub3A_52 = arith.subi %div3A, %sub3A : i32
      %select_n3A_53 = arith.select %and3A_51, %sub3A_52, %div3A : i32
      %mul3A_54 = arith.constant 2 : i32
      %mul3A_55 = arith.muli %mul3A_54, %select_n3A_53 : i32
      %add3A_56 = arith.addi %arg0, %mul3A_55 : i32
      %mul3A_57 = arith.constant 16 : i32
      %mul3A_58 = arith.muli %mul3A_57, %select_n3A_32 : i32
      %sub3A_59 = arith.subi %mul3A_58, %add3A_56 : i32
      %jit3A_60 = arith.constant -32 : i32
      %jit3A_61 = arith.constant 17 : i32
      %max3A = arith.maxsi %jit3A_60, %sub3A_59 : i32
      %min3A = arith.minsi %jit3A_61, %max3A : i32
      %add3A_62 = arith.constant 32 : i32
      %add3A_63 = arith.addi %min3A, %add3A_62 : i32
      %mul3A_64 = arith.constant 8 : i32
      %mul3A_65 = arith.muli %add3A_56, %mul3A_64 : i32
      %multiple_of3A = tpu.assume_multiple %mul3A_65, 8 : i32
      %mul3A_66 = arith.constant 128 : i32
      %mul3A_67 = arith.muli %select_n3A_32, %mul3A_66 : i32
      %multiple_of3A_68 = tpu.assume_multiple %mul3A_67, 128 : i32
      %dma_start3A = arith.constant 0 : i32
      %dma_start3A_69 = arith.constant 0 : i32
      %dma_start3A_70 = arith.constant 0 : i32
      %dma_start3A_71 = tpu.memref_slice %arg5[%add3A_63, %dma_start3A_69, %dma_start3A_70] : memref<50x8x128xf32, #tpu.memory_space<vmem>> -> memref<1x8x128xf32, #tpu.memory_space<vmem>>
      %dma_start3A_72 = tpu.memref_squeeze %dma_start3A_71 : memref<1x8x128xf32, #tpu.memory_space<vmem>> -> memref<8x128xf32, #tpu.memory_space<vmem>>
      %dma_start3A_73 = tpu.memref_slice %arg3[%dma_start3A, %arg1, %multiple_of3A, %multiple_of3A_68] : memref<1x16x2048x2048xf32, #tpu.memory_space<hbm>> -> memref<1x1x8x128xf32, #tpu.memory_space<hbm>>
      %dma_start3A_74 = tpu.memref_squeeze %dma_start3A_73 : memref<1x1x8x128xf32, #tpu.memory_space<hbm>> -> memref<8x128xf32, #tpu.memory_space<hbm>>
      %dma_start3A_75 = tpu.memref_slice %arg3[%dma_start3A, %arg1, %multiple_of3A, %multiple_of3A_68] : memref<1x16x2048x2048xf32, #tpu.memory_space<hbm>> -> memref<1x1x8x128xf32, #tpu.memory_space<hbm>>
      %dma_start3A_76 = tpu.memref_squeeze %dma_start3A_75 : memref<1x1x8x128xf32, #tpu.memory_space<hbm>> -> memref<8x128xf32, #tpu.memory_space<hbm>>
      %dma_start3A_77 = arith.constant 0 : i32
      %dma_start3A_78 = arith.constant 0 : i32
      %dma_start3A_79 = tpu.memref_slice %arg5[%add3A_63, %dma_start3A_77, %dma_start3A_78] : memref<50x8x128xf32, #tpu.memory_space<vmem>> -> memref<1x8x128xf32, #tpu.memory_space<vmem>>
      %dma_start3A_80 = tpu.memref_squeeze %dma_start3A_79 : memref<1x8x128xf32, #tpu.memory_space<vmem>> -> memref<8x128xf32, #tpu.memory_space<vmem>>
      tpu.enqueue_dma source(%dma_start3A_80 : memref<8x128xf32, #tpu.memory_space<vmem>>) target(%dma_start3A_76 : memref<8x128xf32, #tpu.memory_space<hbm>>) target_semaphore(%arg6 : memref<!tpu.dma_semaphore, #tpu.memory_space<semaphore_mem>>)
    }
    %scan3A_11 = arith.constant 32 : i32
    %scan3A_12 = arith.constant 0 : i32
    %scan3A_13 = arith.constant 32 : i32
    %scan3A_14 = arith.constant 2016 : i32
    %scan3A_15 = arith.addi %scan3A_13, %scan3A_14 : i32
    %scan3A_16 = arith.constant 1 : i32
    scf.for %scan3A_24 = %scan3A_13 to %scan3A_15 step %scan3A_16  : i32 {
      %jit3A = arith.constant 16 : i32
      %eq3A = arith.constant 0 : i32
      %eq3A_25 = arith.cmpi eq, %jit3A, %eq3A : i32
      %jit3A_26 = arith.constant 1 : i32
      %select_n3A = arith.select %eq3A_25, %jit3A_26, %jit3A : i32
      %rem3A = arith.remsi %scan3A_24, %select_n3A : i32
      %ne3A = arith.constant 0 : i32
      %ne3A_27 = arith.cmpi ne, %rem3A, %ne3A : i32
      %lt3A = arith.constant 0 : i32
      %lt3A_28 = arith.cmpi slt, %rem3A, %lt3A : i32
      %lt3A_29 = arith.constant 0 : i32
      %lt3A_30 = arith.cmpi slt, %select_n3A, %lt3A_29 : i32
      %ne3A_31 = arith.xori %lt3A_28, %lt3A_30 : i1
      %and3A = arith.andi %ne3A_31, %ne3A_27 : i1
      %add3A = arith.addi %rem3A, %select_n3A : i32
      %select_n3A_32 = arith.select %and3A, %add3A, %rem3A : i32
      %jit3A_33 = arith.constant 16 : i32
      %div3A = arith.divsi %scan3A_24, %jit3A_33 : i32
      %sign3A = arith.constant 0 : i32
      %sign3A_34 = arith.cmpi sgt, %scan3A_24, %sign3A : i32
      %sign3A_35 = arith.extui %sign3A_34 : i1 to i32
      %sign3A_36 = arith.constant 0 : i32
      %sign3A_37 = arith.cmpi slt, %scan3A_24, %sign3A_36 : i32
      %sign3A_38 = arith.extui %sign3A_37 : i1 to i32
      %sign3A_39 = arith.subi %sign3A_35, %sign3A_38 : i32
      %sign3A_40 = arith.constant 0 : i32
      %sign3A_41 = arith.cmpi sgt, %jit3A_33, %sign3A_40 : i32
      %sign3A_42 = arith.extui %sign3A_41 : i1 to i32
      %sign3A_43 = arith.constant 0 : i32
      %sign3A_44 = arith.cmpi slt, %jit3A_33, %sign3A_43 : i32
      %sign3A_45 = arith.extui %sign3A_44 : i1 to i32
      %sign3A_46 = arith.subi %sign3A_42, %sign3A_45 : i32
      %ne3A_47 = arith.cmpi ne, %sign3A_39, %sign3A_46 : i32
      %rem3A_48 = arith.remsi %scan3A_24, %jit3A_33 : i32
      %ne3A_49 = arith.constant 0 : i32
      %ne3A_50 = arith.cmpi ne, %rem3A_48, %ne3A_49 : i32
      %and3A_51 = arith.andi %ne3A_47, %ne3A_50 : i1
      %sub3A = arith.constant 1 : i32
      %sub3A_52 = arith.subi %div3A, %sub3A : i32
      %select_n3A_53 = arith.select %and3A_51, %sub3A_52, %div3A : i32
      %mul3A_54 = arith.constant 2 : i32
      %mul3A_55 = arith.muli %mul3A_54, %select_n3A_53 : i32
      %add3A_56 = arith.addi %arg0, %mul3A_55 : i32
      %mul3A_57 = arith.constant 16 : i32
      %mul3A_58 = arith.muli %mul3A_57, %select_n3A_32 : i32
      %sub3A_59 = arith.subi %mul3A_58, %add3A_56 : i32
      %jit3A_60 = arith.constant -32 : i32
      %jit3A_61 = arith.constant 17 : i32
      %max3A = arith.maxsi %jit3A_60, %sub3A_59 : i32
      %min3A = arith.minsi %jit3A_61, %max3A : i32
      %add3A_62 = arith.constant 32 : i32
      %add3A_63 = arith.addi %min3A, %add3A_62 : i32
      %mul3A_64 = arith.constant 8 : i32
      %mul3A_65 = arith.muli %add3A_56, %mul3A_64 : i32
      %multiple_of3A = tpu.assume_multiple %mul3A_65, 8 : i32
      %mul3A_66 = arith.constant 128 : i32
      %mul3A_67 = arith.muli %select_n3A_32, %mul3A_66 : i32
      %multiple_of3A_68 = tpu.assume_multiple %mul3A_67, 128 : i32
      %dma_start3A = arith.constant 0 : i32
      %dma_start3A_69 = arith.constant 0 : i32
      %dma_start3A_70 = arith.constant 0 : i32
      %dma_start3A_71 = tpu.memref_slice %arg5[%add3A_63, %dma_start3A_69, %dma_start3A_70] : memref<50x8x128xf32, #tpu.memory_space<vmem>> -> memref<1x8x128xf32, #tpu.memory_space<vmem>>
      %dma_start3A_72 = tpu.memref_squeeze %dma_start3A_71 : memref<1x8x128xf32, #tpu.memory_space<vmem>> -> memref<8x128xf32, #tpu.memory_space<vmem>>
      %dma_start3A_73 = tpu.memref_slice %arg3[%dma_start3A, %arg1, %multiple_of3A, %multiple_of3A_68] : memref<1x16x2048x2048xf32, #tpu.memory_space<hbm>> -> memref<1x1x8x128xf32, #tpu.memory_space<hbm>>
      %dma_start3A_74 = tpu.memref_squeeze %dma_start3A_73 : memref<1x1x8x128xf32, #tpu.memory_space<hbm>> -> memref<8x128xf32, #tpu.memory_space<hbm>>
      %dma_start3A_75 = tpu.memref_slice %arg3[%dma_start3A, %arg1, %multiple_of3A, %multiple_of3A_68] : memref<1x16x2048x2048xf32, #tpu.memory_space<hbm>> -> memref<1x1x8x128xf32, #tpu.memory_space<hbm>>
      %dma_start3A_76 = tpu.memref_squeeze %dma_start3A_75 : memref<1x1x8x128xf32, #tpu.memory_space<hbm>> -> memref<8x128xf32, #tpu.memory_space<hbm>>
      %dma_start3A_77 = arith.constant 0 : i32
      %dma_start3A_78 = arith.constant 0 : i32
      %dma_start3A_79 = tpu.memref_slice %arg5[%add3A_63, %dma_start3A_77, %dma_start3A_78] : memref<50x8x128xf32, #tpu.memory_space<vmem>> -> memref<1x8x128xf32, #tpu.memory_space<vmem>>
      %dma_start3A_80 = tpu.memref_squeeze %dma_start3A_79 : memref<1x8x128xf32, #tpu.memory_space<vmem>> -> memref<8x128xf32, #tpu.memory_space<vmem>>
      tpu.enqueue_dma source(%dma_start3A_80 : memref<8x128xf32, #tpu.memory_space<vmem>>) target(%dma_start3A_76 : memref<8x128xf32, #tpu.memory_space<hbm>>) target_semaphore(%arg6 : memref<!tpu.dma_semaphore, #tpu.memory_space<semaphore_mem>>)
      %dma_wait3A = arith.constant 0 : i32
      %dma_wait3A_81 = arith.constant 0 : i32
      %dma_wait3A_82 = arith.constant 0 : i32
      %dma_wait3A_83 = arith.constant 0 : i32
      %dma_wait3A_84 = arith.constant 0 : i32
      %dma_wait3A_85 = tpu.memref_slice %arg5[%dma_wait3A_82, %dma_wait3A_83, %dma_wait3A_84] : memref<50x8x128xf32, #tpu.memory_space<vmem>> -> memref<1x8x128xf32, #tpu.memory_space<vmem>>
      %dma_wait3A_86 = tpu.memref_squeeze %dma_wait3A_85 : memref<1x8x128xf32, #tpu.memory_space<vmem>> -> memref<8x128xf32, #tpu.memory_space<vmem>>
      %dma_wait3A_87 = arith.constant 0 : i32
      %dma_wait3A_88 = arith.constant 0 : i32
      %dma_wait3A_89 = tpu.memref_slice %arg3[%dma_wait3A, %dma_wait3A_81, %dma_wait3A_87, %dma_wait3A_88] : memref<1x16x2048x2048xf32, #tpu.memory_space<hbm>> -> memref<1x1x8x128xf32, #tpu.memory_space<hbm>>
      %dma_wait3A_90 = tpu.memref_squeeze %dma_wait3A_89 : memref<1x1x8x128xf32, #tpu.memory_space<hbm>> -> memref<8x128xf32, #tpu.memory_space<hbm>>
      %dma_wait3A_91 = arith.constant 0 : i32
      %dma_wait3A_92 = arith.constant 0 : i32
      %dma_wait3A_93 = tpu.memref_slice %arg5[%dma_wait3A_82, %dma_wait3A_91, %dma_wait3A_92] : memref<50x8x128xf32, #tpu.memory_space<vmem>> -> memref<1x8x128xf32, #tpu.memory_space<vmem>>
      %dma_wait3A_94 = tpu.memref_squeeze %dma_wait3A_93 : memref<1x8x128xf32, #tpu.memory_space<vmem>> -> memref<8x128xf32, #tpu.memory_space<vmem>>
      %dma_wait3A_95 = arith.constant 0 : i32
      %dma_wait3A_96 = arith.constant 0 : i32
      %dma_wait3A_97 = tpu.memref_slice %arg3[%dma_wait3A, %dma_wait3A_81, %dma_wait3A_95, %dma_wait3A_96] : memref<1x16x2048x2048xf32, #tpu.memory_space<hbm>> -> memref<1x1x8x128xf32, #tpu.memory_space<hbm>>
      %dma_wait3A_98 = tpu.memref_squeeze %dma_wait3A_97 : memref<1x1x8x128xf32, #tpu.memory_space<hbm>> -> memref<8x128xf32, #tpu.memory_space<hbm>>
      tpu.wait_dma2 semaphore(%arg6 : memref<!tpu.dma_semaphore, #tpu.memory_space<semaphore_mem>>) src(%dma_wait3A_98 : memref<8x128xf32, #tpu.memory_space<hbm>>) dst(%dma_wait3A_94 : memref<8x128xf32, #tpu.memory_space<vmem>>)
    }
    %scan3A_17 = arith.constant 2016 : i32
    %scan3A_18 = arith.constant 0 : i32
    %scan3A_19 = arith.constant 0 : i32
    %scan3A_20 = arith.constant 32 : i32
    %scan3A_21 = arith.addi %scan3A_19, %scan3A_20 : i32
    %scan3A_22 = arith.constant 1 : i32
    scf.for %scan3A_24 = %scan3A_19 to %scan3A_21 step %scan3A_22  : i32 {
      %dma_wait3A = arith.constant 0 : i32
      %dma_wait3A_25 = arith.constant 0 : i32
      %dma_wait3A_26 = arith.constant 0 : i32
      %dma_wait3A_27 = arith.constant 0 : i32
      %dma_wait3A_28 = arith.constant 0 : i32
      %dma_wait3A_29 = tpu.memref_slice %arg5[%dma_wait3A_26, %dma_wait3A_27, %dma_wait3A_28] : memref<50x8x128xf32, #tpu.memory_space<vmem>> -> memref<1x8x128xf32, #tpu.memory_space<vmem>>
      %dma_wait3A_30 = tpu.memref_squeeze %dma_wait3A_29 : memref<1x8x128xf32, #tpu.memory_space<vmem>> -> memref<8x128xf32, #tpu.memory_space<vmem>>
      %dma_wait3A_31 = arith.constant 0 : i32
      %dma_wait3A_32 = arith.constant 0 : i32
      %dma_wait3A_33 = tpu.memref_slice %arg3[%dma_wait3A, %dma_wait3A_25, %dma_wait3A_31, %dma_wait3A_32] : memref<1x16x2048x2048xf32, #tpu.memory_space<hbm>> -> memref<1x1x8x128xf32, #tpu.memory_space<hbm>>
      %dma_wait3A_34 = tpu.memref_squeeze %dma_wait3A_33 : memref<1x1x8x128xf32, #tpu.memory_space<hbm>> -> memref<8x128xf32, #tpu.memory_space<hbm>>
      %dma_wait3A_35 = arith.constant 0 : i32
      %dma_wait3A_36 = arith.constant 0 : i32
      %dma_wait3A_37 = tpu.memref_slice %arg5[%dma_wait3A_26, %dma_wait3A_35, %dma_wait3A_36] : memref<50x8x128xf32, #tpu.memory_space<vmem>> -> memref<1x8x128xf32, #tpu.memory_space<vmem>>
      %dma_wait3A_38 = tpu.memref_squeeze %dma_wait3A_37 : memref<1x8x128xf32, #tpu.memory_space<vmem>> -> memref<8x128xf32, #tpu.memory_space<vmem>>
      %dma_wait3A_39 = arith.constant 0 : i32
      %dma_wait3A_40 = arith.constant 0 : i32
      %dma_wait3A_41 = tpu.memref_slice %arg3[%dma_wait3A, %dma_wait3A_25, %dma_wait3A_39, %dma_wait3A_40] : memref<1x16x2048x2048xf32, #tpu.memory_space<hbm>> -> memref<1x1x8x128xf32, #tpu.memory_space<hbm>>
      %dma_wait3A_42 = tpu.memref_squeeze %dma_wait3A_41 : memref<1x1x8x128xf32, #tpu.memory_space<hbm>> -> memref<8x128xf32, #tpu.memory_space<hbm>>
      tpu.wait_dma2 semaphore(%arg6 : memref<!tpu.dma_semaphore, #tpu.memory_space<semaphore_mem>>) src(%dma_wait3A_42 : memref<8x128xf32, #tpu.memory_space<hbm>>) dst(%dma_wait3A_38 : memref<8x128xf32, #tpu.memory_space<vmem>>)
    }
    %scan3A_23 = arith.constant 32 : i32
    return
  }
}

</mosaic_0001>

<sc_bundles>
// kernel: kernel.3.cloned.1.call-start
scs
__scs_entry_jumppad:
0x0: {  	(pc) =	sbr.rel $0x88, $3  }
0x1: {  	(tag) =	ssettag $0x0;
	lr =	simm.s32 $0x1  }
0x2: {  	[smem:$0x3FA0] =	sst lr;
	_ =	strace $0xD0000000  }
0x3: {  	_ = 	snop  }
0x4: {  	_ = 	snop  }
0x5: {  	_ = 	snop  }
0x6: {  	_ = 	snop  }
0x7: {  	_ = 	snop  }
__scs_overlays_trampoline_lowered:
0x8: {  	[smem:$0x3FAF] =	sst s0  }
0x9: {  	[smem:$0x3FB0] =	sst s1  }
0xa: {  	[smem:$0x3FB1] =	sst s2  }
0xb: {  	[smem:$0x3FB2] =	sst s3  }
0xc: {  	[smem:$0x3FB3] =	sst s4  }
0xd: {  	[smem:$0x3FB4] =	sst s5  }
0xe: {  	[smem:$0x3FB5] =	sst s6  }
0xf: {  	[smem:$0x3FB6] =	sst s7  }
0x10: {  	[smem:$0x3FB7] =	sst s8  }
0x11: {  	[smem:$0x3FB8] =	sst s9;
	s0 =	simm.s32 @!p0 $0x0  }
0x12: {  	s1 =	sld [smem:$0x3F9E];
	s0 =	simm.s32 @p0 $0x1  }
0x13: {  	[smem:$0x3FB9] =	sst s0;
	s0 =	simm.s32 @!p1 $0x0  }
0x14: {  	s2 =	sld [smem:$0x3F9D];
	s0 =	simm.s32 @p1 $0x1  }
0x15: {  	[smem:$0x3FBA] =	sst s0;
	s0 =	simm.s32 @!p2 $0x0  }
0x16: {  	s3 =	sld [smem:$0x3FDB];
	s0 =	simm.s32 @p2 $0x1  }
0x17: {  	s4 =	simm.s32 $0x1BF5;
	[smem:$0x3FBC] =	sst s0  }
0x18: {  	s0 =	sld [smem:$0x3F9F];
	_ =	swait.ge [sflag:s4], $0x0  }
0x19: {  	s7 =	sld [smem:$0x3FA0]  }
0x1a: {  	s8 =	sadd.s32 $0xFFFFE003, lr  }
0x1b: {  	s9 =	sadd.s32 $0xFFFFFEF7, lr;
	s5 =	simm.s32 $0xFFFFFFFF;
	p2 =	slt.u32 s8, $0xFFFFF086  }
0x1c: {  	p1 =	slt.u32 s9, $0xF7A;
	s5 =	simm.s32 @!p2 $0x0  }
0x1d: {  	s5 =	simm.s32 @p1 $0x1;
	p0 =	seq.s32 s7, s2  }
0x1e: {  	s7 =	smul.u32 @!p0 $0xF7A, s2;
	p2 =	seq.s32 @!p0 s5, $0x0  }
0x1f: {  	s9 =	smul.u32 $0xF7A, s1;
	s8 =	simm.s32 @!p0 $0x1BF5;
	p2 =	por !p2, p0  }
0x20: {  	[sflag:s8] =	ssyncset.s32 @!p0 $0xFFFFF086;
	s6 =	sadd.s32 @!p0 s3, s7;
	s7 =	simm.s32 @!p0 $0x108  }
0x21: {  	s3 =	sadd.s32 s3, s9;
	s6 =	sadd.s32 @!p0 $0x88, s6;
	s7 =	simm.s32 @p2 $0x1082  }
0x22: {  	[simem:s7], [sflag:s8] =	dma.local @!p0 [hbm:s6], $0xF7A  }
0x23: {  	s9 =	sor.u32 $0xD0000000, s2;
	s6 =	simm.s32 $0x108;
	_ =	swait.ge @!p0 [sflag:s8], $0x0  }
0x24: {  	s3 =	sadd.s32 $0x88, s3;
	s6 =	simm.s32 @!p1 $0x1082;
	[sflag:s4] =	ssyncset.s32 $0xFFFFF086  }
0x25: {  	[simem:s6], [sflag:s4] =	dma.local [hbm:s3], $0xF7A  }
0x26: {  	[smem:$0x3FA0] =	sst s1;
	(tag) =	ssettag s2;
	_ =	strace s9  }
0x27: {  	s1 =	sld [smem:$0x3FB0]  }
0x28: {  	s2 =	sld [smem:$0x3FB1]  }
0x29: {  	s4 =	sld [smem:$0x3FB3]  }
0x2a: {  	p0 =	seq.s32 s5, $0x0;
	s5 =	sld [smem:$0x3FB4]  }
0x2b: {  	s6 =	sld [smem:$0x3FB5]  }
0x2c: {  	s7 =	sld [smem:$0x3FB6]  }
0x2d: {  	s3 =	simm.s32 $0x108;
	s8 =	sld [smem:$0x3FB7]  }
0x2e: {  	s3 =	simm.s32 @!p0 $0x1082;
	s9 =	sld [smem:$0x3FB8]  }
0x2f: {  	lr =	sadd.s32 s0, s3;
	s0 =	sld [smem:$0x3FAF]  }
0x30: {  	s3 =	sld [smem:$0x3FB2]  }
0x31: {  	[smem:$0x3FBB] =	sst s10  }
0x32: {  	s10 =	sld [smem:$0x3FB9];
	_ =	sdelay $0x3  }
0x33: {  	p0 =	seq.s32 s10, $0x1;
	s10 =	sld [smem:$0x3FBB];
	_ =	sdelay $0x3  }
0x34: {  	[smem:$0x3FBB] =	sst s10  }
0x35: {  	s10 =	sld [smem:$0x3FBA];
	_ =	sdelay $0x3  }
0x36: {  	p1 =	seq.s32 s10, $0x1;
	s10 =	sld [smem:$0x3FBB];
	_ =	sdelay $0x3  }
0x37: {  	[smem:$0x3FBB] =	sst s10  }
0x38: {  	s10 =	sld [smem:$0x3FBC]  }
0x39: {  	_ = 	snop;
	(pc) =	sbr.ind lr, $3  }
0x3a: {  	_ = 	snop  }
0x3b: {  	_ = 	snop  }
0x3c: {  	p2 =	seq.s32 s10, $0x1;
	s10 =	sld [smem:$0x3FBB]  }
0x3d: {  	_ =	shalt  }
0x3e: {  	_ =	shalt  }
0x3f: {  	_ =	shalt  }
0x40: {  	_ =	shalt  }
0x41: {  	_ =	shalt  }
0x42: {  	_ =	shalt  }
0x43: {  	_ =	shalt  }
0x44: {  	_ =	shalt  }
0x45: {  	_ =	shalt  }
0x46: {  	_ =	shalt  }
0x47: {  	_ =	shalt  }
0x48: {  	_ =	shalt  }
0x49: {  	_ =	shalt  }
0x4a: {  	_ =	shalt  }
0x4b: {  	_ =	shalt  }
0x4c: {  	_ =	shalt  }
0x4d: {  	_ =	shalt  }
0x4e: {  	_ =	shalt  }
0x4f: {  	_ =	shalt  }
0x50: {  	_ =	shalt  }
0x51: {  	_ =	shalt  }
0x52: {  	_ =	shalt  }
0x53: {  	_ =	shalt  }
0x54: {  	_ =	shalt  }
0x55: {  	_ =	shalt  }
0x56: {  	_ =	shalt  }
0x57: {  	_ =	shalt  }
0x58: {  	_ =	shalt  }
0x59: {  	_ =	shalt  }
0x5a: {  	_ =	shalt  }
0x5b: {  	_ =	shalt  }
0x5c: {  	_ =	shalt  }
0x5d: {  	_ =	shalt  }
0x5e: {  	_ =	shalt  }
0x5f: {  	_ =	shalt  }
0x60: {  	_ =	shalt  }
0x61: {  	_ =	shalt  }
0x62: {  	_ =	shalt  }
0x63: {  	_ =	shalt  }
0x64: {  	_ =	shalt  }
0x65: {  	_ =	shalt  }
0x66: {  	_ =	shalt  }
0x67: {  	_ =	shalt  }
0x68: {  	_ =	shalt  }
0x69: {  	_ =	shalt  }
0x6a: {  	_ =	shalt  }
0x6b: {  	_ =	shalt  }
0x6c: {  	_ =	shalt  }
0x6d: {  	_ =	shalt  }
0x6e: {  	_ =	shalt  }
0x6f: {  	_ =	shalt  }
0x70: {  	_ =	shalt  }
0x71: {  	_ =	shalt  }
0x72: {  	_ =	shalt  }
0x73: {  	_ =	shalt  }
0x74: {  	_ =	shalt  }
0x75: {  	_ =	shalt  }
0x76: {  	_ =	shalt  }
0x77: {  	_ =	shalt  }
0x78: {  	_ =	shalt  }
0x79: {  	_ =	shalt  }
0x7a: {  	_ =	shalt  }
0x7b: {  	_ =	shalt  }
0x7c: {  	_ =	shalt  }
0x7d: {  	_ =	shalt  }
0x7e: {  	_ =	shalt  }
0x7f: {  	_ =	shalt  }
0x80: {  	_ =	shalt  }
0x81: {  	_ =	shalt  }
0x82: {  	_ =	shalt  }
0x83: {  	_ =	shalt  }
0x84: {  	_ =	shalt  }
0x85: {  	_ =	shalt  }
0x86: {  	_ =	shalt  }
0x87: {  	_ =	shalt  }
.Lfunc_end0:
.L_simem_size_0:
called_computation_lowered:
.L_overlay_start_0:
0x88: {  	s2 =	sld [smem:$0x3FD9]  }
0x89: {  	s3 =	sld [smem:$0x3FFE];
	_ =	sdelay $0x1  }
0x8a: {  	s1 =	srdreg.scid  }
0x8b: {  	s0 =	sand.u32 $0x1, s1  }
0x8c: {  	s17 =	sshll.u32 s0, $0xA;
	s2 =	sadd.s32 s3, s2  }
0x8d: {  	s2 =	sadd.s32 s2, s17  }
0x8e: {  	[smem:$0x3FC7] =	sst s2  }
0x8f: {  	_ = 	snop  }
0x90: {  	s2 =	sld [smem:$0x3FD0];
	(tm) =	ssettm $0x1  }
0x91: {  	s18 =	sld [smem:$0x3FFB];
	_ =	sdelay $0x3  }
0x92: {  	_ =	strace s18  }
0x93: {  	s3 =	sld [smem:$0x3FFC];
	_ =	sdelay $0x3  }
0x94: {  	_ =	strace s3  }
0x95: {  	s3 =	sld [smem:$0x3FFD];
	_ =	sdelay $0x3  }
0x96: {  	_ =	strace s3  }
0x97: {  	_ =	strace $0x8FFFFFFF  }
0x98: {  	s19 =	sld [smem:$0x3FDB];
	_ =	sdelay $0x1  }
0x99: {  	s4 =	simm.s32 $_scs_section_size  }
0x9a: {  	s5 =	simm.s32 $_size__tile_overlayer_lowered;
	s6 =	simm.s32 $_tile_overlayer_lowered  }
0x9b: {  	s22 =	simm.s32 $0x1BFF;
	s21 =	sshll.u32 s6, $0x1;
	s3 =	sadd.s32 s4, s19  }
0x9c: {  	s7 =	simm.s32 $0x0;
	s20 =	sshll.u32 s5, $0x1;
	s5 =	sadd.s32 s21, s3  }
0x9d: {  	[timem:s7], [sflag:s22] =	dma.local [hbm:s5], s20  }
0x9e: {  	_ =	swait.ge [sflag:s22], s20  }
0x9f: {  	s4 =	ssub.s32 $0x0, s20;
	[sflag:s22] =	ssyncset.done $0x0  }
0xa0: {  	[sflag:s22] =	ssyncadd.s32 s4;
	_ =	sdelay $0x1  }
0xa1: {  	s23 =	simm.s32 $0x1B8B  }
0xa2: {  	_ =	swait.ge [sflag:s23], $0x1  }
0xa3: {  	[sflag:s23] =	ssyncset.done $0x0  }
0xa4: {  	s25 =	simm.s32 $0x1B8E;
	s24 =	sld [smem:$0x3FFE];
	[sflag:s23] =	ssyncadd.s32 $0xFFFFFFFF  }
0xa5: {  	s26 =	simm.s32 $execute0_lowered;
	[smem:$0x3FD2] =	sst s25  }
0xa6: {  	s5 =	sshll.u32 s26, $0x1;
	_ =	strace $0x80000046;
	[dreg:$0x1] =	wrdreg $0xFFFFFFFF  }
0xa7: {  	s28 =	simm.s32 $_size_execute0_lowered;
	s3 =	sadd.s32 s3, s5;
	[dreg:$0x0] =	wrdreg $0x0  }
0xa8: {  	s5 =	sshll.u32 s28, $0x1;
	[dreg:$0x2] =	wrdreg s3  }
0xa9: {  	[dreg:$0x3] =	wrdreg s5  }
0xaa: {  	[dreg:$0x4] =	wrdreg $0xC0  }
0xab: {  	_ =	task [dreg:s7], $0x5FFFF  }
0xac: {  	[dreg:$0x1] =	wrdreg $0xFFFFFFFF  }
0xad: {  	[dreg:$0x0] =	wrdreg $0x60  }
0xae: {  	[dreg:$0x2] =	wrdreg s24  }
0xaf: {  	[dreg:$0x3] =	wrdreg s2  }
0xb0: {  	[dreg:$0x4] =	wrdreg $0x9  }
0xb1: {  	_ =	task.clear_ibuf [dreg:s7], $0x5FFFF;
	_ =	strace $0x90000046  }
0xb2: {  	s29 =	simm.s32 $0x9;
	_ =	strace $0x80000048  }
0xb3: {  	_ =	swait.ge [sflag:s29], $0x1  }
0xb4: {  	[sflag:s29] =	ssyncadd.s32 $0xFFFFFFFF  }
0xb5: {  	_ =	strace $0x90000048  }
0xb6: {  	_ =	sfence  }
0xb7: {  	s30 =	sld [smem:$0x0];
	_ =	sdelay $0x2  }
0xb8: {  	s31 =	sshll.u32 s1, $0xD;
	s1 =	sshrl.u32 s1, $0x2  }
0xb9: {  	s3 =	sand.u32 $0x4000, s31;
	s1 =	sadd.s32 s1, s30  }
0xba: {  	s0 =	sor.u32 s3, s0;
	s1 =	sshll.u32 s1, $0x11  }
0xbb: {  	s0 =	sor.u32 s1, s0  }
0xbc: {  	s0 =	sadd.s32 $0x8F2B, s0  }
0xbd: {  	[sflag:s0] =	ssyncadd.remote.s32 $0x1  }
0xbe: {  	_ =	sfence.sel $0xFFFF  }
0xbf: {  	[dreg:$0x0] =	wrdreg $0xFFFFFFFF;
	(pc) =	sbr.abs _section_cstart, $3  }
0xc0: {  	[dreg:$0x1] =	wrdreg $0xFFFFFFFF  }
0xc1: {  	_ =	task.clear_ibuf [dreg:s7], $0x2FFFF;
	_ =	strace $0x9FFFFFFF  }
0xc2: {  	(tm) =	ssettm $0x7FFFFFFF  }
0xc3: {  	_ =	shalt  }
tec
execute0_lowered:
.L_overlay_start_1:
0x0: {  	(tag) =	ssettag $0x1  }
0x1: {  	s4 =	rddreg [dreg:$0x0]  }
0x2: {  	s5 =	rddreg [dreg:$0x1]  }
0x3: {  	s1 =	srdreg.scid;
	s0 =	rddreg [dreg:$0x2];
	s3 =	simm.s32 $0x0  }
0x4: {  	s9 =	simm.s32 $0x0;
	s2 =	sand.u32 $0x1, s1;
	s1 =	stileid.u32  }
0x5: {  	[smem:$0x7FF] =	sst s3;
	s6 =	ssub.s32 $0x2, s2;
	s8 =	smul.u32 $0x48, s1  }
0x6: {  	_ =	strace $0x80000047;
	s31 =	sshll.u32 s1, $0x13;
	s7 =	sshrl.u32 s6, $0x1  }
0x7: {  	s5 =	sadd.s32 s5, s31;
	s6 =	ssub.s32 s6, s7;
	s4 =	sadd.s32 s4, s8  }
0x8: {  	s7 =	simm.s32 $0x2;
	s8 =	simm.s32 $0x1;
	s6 =	smax.u32 s6, $0x1  }
.LBB2_1:
0x9: {  	[tilespmem:s3], [sflag:$0x2] =	stream.linear.gather [hbm4b:s4+s3], $0x240, $0x38;
	[tilespmem:$0xCA80] =	vst v63  }
0xa: {  	s11 =	simm.s32 $0x0  }
0xb: {  	_ =	swait.ge [sflag:s7], $0x240;
	s10 =	sand.u32 $0x7, s11;
	s11 =	sand.u32 $0x1FFFFFF8, s11  }
0xc: {  	[sflag:s7] =	ssyncset.done $0x0;
	s12 =	ssub.s32 s11, s10;
	s11 =	sand.u32 $0x70, s3  }
0xd: {  	[sflag:s7] =	ssyncadd.s32 $0xFFFFFDC0;
	s13 =	sadd.s32 s11, s12  }
0xe: {  	s14 =	simm.s32 $0x0;
	s12 =	simm.s32 $0x1;
	v0 =	vld [tilespmem:s13+$0x20];
	s13 =	simm.s32 $0x0  }
.LBB2_2:
0xf: {  	s15 =	sshrl.u32 s12, $0x3;
	s14 =	sand.u32 $0x3FFFFC00, s14  }
0x10: {  	s13 =	sadd.s32 $0x10, s13;
	s16 =	smov.u32 s12;
	p0 =	sne.s32 s12, $0xC7F  }
.Ltmp0:
0x11: {  	s12 =	sadd.s32 $0x1, s12;
	s17 =	sshll.u32 s10, $0x7;
	(pc) =	sbr.rel @p0 .LBB2_2-.Ltmp0, $4  }
0x12: {  	s10 =	sand.u32 $0x7, s15;
	s15 =	sand.u32 $0x1FFFFFF8, s15;
	s14 =	sor.u32 s17, s14  }
0x13: {  	s15 =	ssub.s32 s15, s10;
	s14 =	sor.u32 s11, s14;
	s11 =	sand.u32 $0x70, s13  }
0x14: {  	s15 =	sadd.s32 s11, s15;
	[tilespmem:s14+$0x280] =	vst v0  }
0x15: {  	s14 =	sshll.u32 s16, $0x4;
	v0 =	vld [tilespmem:s15+$0x20]  }
0x16: {  	s12 =	simm.s32 $0x0;
	s13 =	simm.s32 $0x0  }
0x17: {  	s12 =	sand.u32 $0xF, s12;
	s13 =	sand.u32 $0x2, s13  }
0x18: {  	s15 =	sshll.u32 s10, $0x7;
	s16 =	sshll.u32 s12, $0x4;
	s10 =	sor.u32 s2, s13  }
0x19: {  	s14 =	sand.u32 $0x3FFFFC00, s14;
	s30 =	simm.s32 $0x1;
	s16 =	ssub.s32 s16, s10  }
0x1a: {  	s31 =	simm.s32 $0x0;
	s29 =	sor.u32 s15, s14;
	p0 =	sgt.s32 s16, $0xFFFFFFE0  }
0x1b: {  	s17 =	sand.u32 $0x2, s31;
	s14 =	sor.u32 s11, s29;
	s16 =	simm.s32 @!p0 $0xFFFFFFE0  }
0x1c: {  	s11 =	sand.u32 $0xF, s30;
	s12 =	sshll.u32 s12, $0x7;
	p0 =	slt.s32 s16, $0x11  }
0x1d: {  	s13 =	sshll.u32 s11, $0x4;
	s15 =	sadd.s32 s12, s5;
	s16 =	simm.s32 @!p0 $0x11  }
0x1e: {  	s12 =	simm.s32 $0x2;
	[tilespmem:s14+$0x280] =	vst v0;
	s14 =	sor.u32 s2, s17;
	s16 =	sshll.u32 s16, $0xC  }
.LBB2_4:
0x1f: {  	p0 =	sne.s32 s12, $0x1F;
	s17 =	sshll.u32 s10, $0xB  }
0x20: {  	s16 =	sshra.s32 s16, $0x2;
	s18 =	smov.u32 s11;
	s10 =	smov.u32 s14  }
0x21: {  	s19 =	ssub.s32 s13, s10;
	s11 =	sadd.s32 s17, s15;
	s13 =	sadd.s32 $0x8280, s16  }
0x22: {  	[hbm4b:s11+s3] =	stream.linear.scatter [tilespmem:s13], [sflag:$0x1], $0x400, $0x38;
	[tilespmem:$0xCA80] =	vst v63  }
.Ltmp1:
0x23: {  	p1 =	sgt.s32 s19, $0xFFFFFFE0;
	(pc) =	sbr.rel @p0 .LBB2_4-.Ltmp1, $4  }
0x24: {  	s14 =	sshrl.u32 s12, $0x3;
	s11 =	sand.u32 $0xF, s12;
	s19 =	simm.s32 @!p1 $0xFFFFFFE0  }
0x25: {  	s15 =	sshll.u32 s18, $0x7;
	s13 =	sshll.u32 s11, $0x4;
	p1 =	slt.s32 s19, $0x11  }
0x26: {  	s14 =	sand.u32 $0x2, s14;
	s15 =	sadd.s32 s15, s5;
	s19 =	simm.s32 @!p1 $0x11  }
0x27: {  	s14 =	sor.u32 s2, s14;
	s12 =	sadd.s32 $0x1, s12;
	s16 =	sshll.u32 s19, $0xC  }
0x28: {  	s10 =	sshll.u32 s10, $0xB;
	s12 =	sshra.s32 s16, $0x2;
	s13 =	ssub.s32 s13, s14  }
0x29: {  	s10 =	sadd.s32 s10, s15;
	s12 =	sadd.s32 $0x8280, s12;
	p0 =	sgt.s32 s13, $0xFFFFFFE0  }
0x2a: {  	[hbm4b:s10+s3] =	stream.linear.scatter [tilespmem:s12], [sflag:$0x1], $0x400, $0x38;
	[tilespmem:$0xCA80] =	vst v63  }
0x2b: {  	s13 =	simm.s32 @!p0 $0xFFFFFFE0  }
0x2c: {  	p0 =	slt.s32 s13, $0x11  }
0x2d: {  	s13 =	simm.s32 @!p0 $0x11  }
0x2e: {  	s22 =	sshll.u32 s11, $0x7;
	s24 =	sshll.u32 s14, $0xB;
	s23 =	sshll.u32 s13, $0xC  }
0x2f: {  	s25 =	simm.s32 $0x20;
	s10 =	sadd.s32 s22, s5;
	s11 =	sshra.s32 s23, $0x2  }
0x30: {  	s26 =	simm.s32 $0x4;
	s10 =	sadd.s32 s24, s10;
	s11 =	sadd.s32 $0x8280, s11  }
0x31: {  	[hbm4b:s10+s3] =	stream.linear.scatter [tilespmem:s11], [sflag:$0x1], $0x400, $0x38;
	[tilespmem:$0xCA80] =	vst v63  }
0x32: {  	s11 =	sand.u32 $0xFE, s26;
	s10 =	sand.u32 $0xF, s25  }
0x33: {  	s11 =	sor.u32 s2, s11;
	s28 =	sshll.u32 s10, $0x4  }
0x34: {  	s12 =	ssub.s32 s28, s11  }
0x35: {  	s29 =	simm.s32 $0x21;
	p0 =	sgt.s32 s12, $0xFFFFFFE0  }
0x36: {  	s16 =	simm.s32 $0x22;
	s30 =	simm.s32 $0x4;
	s12 =	simm.s32 @!p0 $0xFFFFFFE0  }
0x37: {  	s14 =	sand.u32 $0xFE, s30;
	s13 =	sand.u32 $0xF, s29;
	p0 =	slt.s32 s12, $0x11  }
0x38: {  	s15 =	sor.u32 s2, s14;
	s31 =	sshll.u32 s13, $0x4;
	s12 =	simm.s32 @!p0 $0x11  }
0x39: {  	s13 =	sshll.u32 s13, $0x7;
	s14 =	ssub.s32 s31, s15;
	s12 =	sshll.u32 s12, $0xC  }
0x3a: {  	s10 =	sshll.u32 s10, $0x7;
	s11 =	sshll.u32 s11, $0xB;
	s12 =	sshra.s32 s12, $0x2  }
.LBB2_6:
0x3b: {  	p1 =	sgt.s32 s14, $0xFFFFFFE0;
	s17 =	smov.u32 s16  }
0x3c: {  	s18 =	sadd.s32 $0x1, s16;
	s19 =	smov.u32 s11;
	s11 =	sshll.u32 s15, $0xB  }
0x3d: {  	p0 =	sne.s32 s16, $0x7FF;
	s14 =	simm.s32 @!p1 $0xFFFFFFE0  }
0x3e: {  	s15 =	sadd.s32 s10, s5;
	p1 =	slt.s32 s14, $0x11  }
0x3f: {  	s10 =	smov.u32 s13;
	s16 =	sshrl.u32 s17, $0x3;
	s14 =	simm.s32 @!p1 $0x11  }
0x40: {  	s13 =	sshll.u32 s14, $0xC;
	s14 =	sadd.s32 s19, s15;
	s15 =	sadd.s32 $0x8280, s12  }
.Ltmp2:
0x41: {  	s12 =	sshra.s32 s13, $0x2;
	s13 =	sand.u32 $0xFE, s16;
	(pc) =	sbr.rel @p0 .LBB2_6-.Ltmp2, $4  }
0x42: {  	[hbm4b:s14+s3] =	stream.linear.scatter [tilespmem:s15], [sflag:$0x1], $0x400, $0x38;
	[tilespmem:$0xCA80] =	vst v63  }
0x43: {  	s14 =	sand.u32 $0xF, s17;
	s15 =	sor.u32 s2, s13;
	_ =	swait.ge [sflag:s8], $0x400  }
0x44: {  	s16 =	sshll.u32 s14, $0x4;
	s13 =	sshll.u32 s14, $0x7;
	[sflag:s8] =	ssyncset.done $0x0  }
0x45: {  	s14 =	ssub.s32 s16, s15;
	s16 =	smov.u32 s18;
	[sflag:s8] =	ssyncadd.s32 $0xFFFFFC00  }
0x46: {  	p0 =	sgt.s32 s14, $0xFFFFFFE0  }
0x47: {  	s10 =	sadd.s32 s10, s5;
	s14 =	simm.s32 @!p0 $0xFFFFFFE0  }
0x48: {  	s28 =	sadd.s32 $0x8280, s12;
	s10 =	sadd.s32 s11, s10;
	p0 =	slt.s32 s14, $0x11  }
0x49: {  	[hbm4b:s10+s3] =	stream.linear.scatter [tilespmem:s28], [sflag:$0x1], $0x400, $0x38;
	[tilespmem:$0xCA80] =	vst v63  }
0x4a: {  	s14 =	simm.s32 @!p0 $0x11  }
0x4b: {  	s29 =	sshll.u32 s15, $0xB;
	_ =	swait.ge [sflag:s8], $0x400;
	s30 =	sshll.u32 s14, $0xC  }
0x4c: {  	s31 =	sadd.s32 s13, s5;
	[sflag:s8] =	ssyncset.done $0x0;
	s11 =	sshra.s32 s30, $0x2  }
0x4d: {  	s10 =	sadd.s32 s29, s31;
	[sflag:s8] =	ssyncadd.s32 $0xFFFFFC00;
	s11 =	sadd.s32 $0x8280, s11  }
0x4e: {  	[hbm4b:s10+s3] =	stream.linear.scatter [tilespmem:s11], [sflag:$0x1], $0x400, $0x38;
	[tilespmem:$0xCA80] =	vst v63  }
0x4f: {  	_ =	swait.ge [sflag:s8], $0x400  }
0x50: {  	[sflag:s8] =	ssyncset.done $0x0  }
0x51: {  	[sflag:s8] =	ssyncadd.s32 $0xFFFFFC00  }
0x52: {  	_ =	swait.ge [sflag:s8], $0x400  }
0x53: {  	[sflag:s8] =	ssyncset.done $0x0  }
0x54: {  	[sflag:s8] =	ssyncadd.s32 $0xFFFFFC00  }
0x55: {  	_ =	swait.ge [sflag:s8], $0x400  }
0x56: {  	[sflag:s8] =	ssyncset.done $0x0  }
0x57: {  	[sflag:s8] =	ssyncadd.s32 $0xFFFFFC00  }
0x58: {  	_ =	swait.ge [sflag:s8], $0x400  }
0x59: {  	[sflag:s8] =	ssyncset.done $0x0  }
0x5a: {  	[sflag:s8] =	ssyncadd.s32 $0xFFFFFC00  }
0x5b: {  	_ =	swait.ge [sflag:s8], $0x400  }
0x5c: {  	[sflag:s8] =	ssyncset.done $0x0  }
0x5d: {  	[sflag:s8] =	ssyncadd.s32 $0xFFFFFC00  }
0x5e: {  	_ =	swait.ge [sflag:s8], $0x400  }
0x5f: {  	[sflag:s8] =	ssyncset.done $0x0  }
0x60: {  	[sflag:s8] =	ssyncadd.s32 $0xFFFFFC00  }
0x61: {  	_ =	swait.ge [sflag:s8], $0x400  }
0x62: {  	[sflag:s8] =	ssyncset.done $0x0  }
0x63: {  	[sflag:s8] =	ssyncadd.s32 $0xFFFFFC00  }
0x64: {  	_ =	swait.ge [sflag:s8], $0x400  }
0x65: {  	[sflag:s8] =	ssyncset.done $0x0  }
0x66: {  	[sflag:s8] =	ssyncadd.s32 $0xFFFFFC00  }
0x67: {  	_ =	swait.ge [sflag:s8], $0x400  }
0x68: {  	[sflag:s8] =	ssyncset.done $0x0  }
0x69: {  	[sflag:s8] =	ssyncadd.s32 $0xFFFFFC00  }
0x6a: {  	_ =	swait.ge [sflag:s8], $0x400  }
0x6b: {  	[sflag:s8] =	ssyncset.done $0x0  }
0x6c: {  	[sflag:s8] =	ssyncadd.s32 $0xFFFFFC00  }
0x6d: {  	_ =	swait.ge [sflag:s8], $0x400  }
0x6e: {  	[sflag:s8] =	ssyncset.done $0x0  }
0x6f: {  	[sflag:s8] =	ssyncadd.s32 $0xFFFFFC00  }
0x70: {  	_ =	swait.ge [sflag:s8], $0x400  }
0x71: {  	[sflag:s8] =	ssyncset.done $0x0  }
0x72: {  	[sflag:s8] =	ssyncadd.s32 $0xFFFFFC00  }
0x73: {  	_ =	swait.ge [sflag:s8], $0x400  }
0x74: {  	[sflag:s8] =	ssyncset.done $0x0  }
0x75: {  	[sflag:s8] =	ssyncadd.s32 $0xFFFFFC00  }
0x76: {  	_ =	swait.ge [sflag:s8], $0x400  }
0x77: {  	[sflag:s8] =	ssyncset.done $0x0  }
0x78: {  	[sflag:s8] =	ssyncadd.s32 $0xFFFFFC00  }
0x79: {  	_ =	swait.ge [sflag:s8], $0x400  }
0x7a: {  	[sflag:s8] =	ssyncset.done $0x0  }
0x7b: {  	[sflag:s8] =	ssyncadd.s32 $0xFFFFFC00  }
0x7c: {  	_ =	swait.ge [sflag:s8], $0x400  }
0x7d: {  	[sflag:s8] =	ssyncset.done $0x0  }
0x7e: {  	[sflag:s8] =	ssyncadd.s32 $0xFFFFFC00  }
0x7f: {  	_ =	swait.ge [sflag:s8], $0x400  }
0x80: {  	[sflag:s8] =	ssyncset.done $0x0  }
0x81: {  	[sflag:s8] =	ssyncadd.s32 $0xFFFFFC00  }
0x82: {  	_ =	swait.ge [sflag:s8], $0x400  }
0x83: {  	[sflag:s8] =	ssyncset.done $0x0  }
0x84: {  	[sflag:s8] =	ssyncadd.s32 $0xFFFFFC00  }
0x85: {  	_ =	swait.ge [sflag:s8], $0x400  }
0x86: {  	[sflag:s8] =	ssyncset.done $0x0  }
0x87: {  	[sflag:s8] =	ssyncadd.s32 $0xFFFFFC00  }
0x88: {  	_ =	swait.ge [sflag:s8], $0x400  }
0x89: {  	[sflag:s8] =	ssyncset.done $0x0  }
0x8a: {  	[sflag:s8] =	ssyncadd.s32 $0xFFFFFC00  }
0x8b: {  	_ =	swait.ge [sflag:s8], $0x400  }
0x8c: {  	[sflag:s8] =	ssyncset.done $0x0  }
0x8d: {  	[sflag:s8] =	ssyncadd.s32 $0xFFFFFC00  }
0x8e: {  	_ =	swait.ge [sflag:s8], $0x400  }
0x8f: {  	[sflag:s8] =	ssyncset.done $0x0  }
0x90: {  	[sflag:s8] =	ssyncadd.s32 $0xFFFFFC00  }
0x91: {  	_ =	swait.ge [sflag:s8], $0x400  }
0x92: {  	[sflag:s8] =	ssyncset.done $0x0  }
0x93: {  	[sflag:s8] =	ssyncadd.s32 $0xFFFFFC00  }
0x94: {  	_ =	swait.ge [sflag:s8], $0x400  }
0x95: {  	[sflag:s8] =	ssyncset.done $0x0  }
0x96: {  	[sflag:s8] =	ssyncadd.s32 $0xFFFFFC00  }
0x97: {  	_ =	swait.ge [sflag:s8], $0x400  }
0x98: {  	[sflag:s8] =	ssyncset.done $0x0  }
0x99: {  	[sflag:s8] =	ssyncadd.s32 $0xFFFFFC00  }
0x9a: {  	_ =	swait.ge [sflag:s8], $0x400  }
0x9b: {  	[sflag:s8] =	ssyncset.done $0x0  }
0x9c: {  	[sflag:s8] =	ssyncadd.s32 $0xFFFFFC00  }
0x9d: {  	_ =	swait.ge [sflag:s8], $0x400  }
0x9e: {  	[sflag:s8] =	ssyncset.done $0x0  }
0x9f: {  	[sflag:s8] =	ssyncadd.s32 $0xFFFFFC00  }
0xa0: {  	_ =	swait.ge [sflag:s8], $0x400  }
0xa1: {  	[sflag:s8] =	ssyncset.done $0x0  }
0xa2: {  	[sflag:s8] =	ssyncadd.s32 $0xFFFFFC00  }
0xa3: {  	_ =	swait.ge [sflag:s8], $0x400  }
0xa4: {  	[sflag:s8] =	ssyncset.done $0x0  }
0xa5: {  	[sflag:s8] =	ssyncadd.s32 $0xFFFFFC00  }
0xa6: {  	_ =	swait.ge [sflag:s8], $0x400  }
0xa7: {  	[sflag:s8] =	ssyncset.done $0x0  }
0xa8: {  	[sflag:s8] =	ssyncadd.s32 $0xFFFFFC00  }
0xa9: {  	_ =	swait.ge [sflag:s8], $0x400  }
0xaa: {  	[sflag:s8] =	ssyncset.done $0x0  }
0xab: {  	s9 =	sadd.s32 $0x1, s9;
	[sflag:s8] =	ssyncadd.s32 $0xFFFFFC00  }
0xac: {  	p0 =	sne.s32 s9, s6;
	_ =	swait.ge [sflag:s8], $0x400  }
.Ltmp3:
0xad: {  	[sflag:s8] =	ssyncset.done $0x0;
	(pc) =	sbr.rel @p0 .LBB2_1-.Ltmp3, $4  }
0xae: {  	[sflag:s8] =	ssyncadd.s32 $0xFFFFFC00  }
0xaf: {  	_ =	swait.ge [sflag:s8], $0x400  }
0xb0: {  	[sflag:s8] =	ssyncset.done $0x0  }
0xb1: {  	[sflag:s8] =	ssyncadd.s32 $0xFFFFFC00  }
0xb2: {  	_ =	sfence.sel $0x180000  }
0xb3: {  	[bflag:$0x0] =	sbarrier.arrive $0xFFFF  }
0xb4: {  	p0 =	sne.s32 s1, $0x0;
	_ =	strace $0x90000047  }
0xb5: {  	s0 =	sadd.s32 @!p0 $0x100000, s0;
	[bflag:$0x2] =	sbarrier.arrive $0xFFFF  }
0xb6: {  	[sflag:s0] =	ssyncadd.tile.s32 @!p0 $0x1;
	_ =	shalt  }
.Lfunc_end2:
_tile_overlayer_lowered:
.L_overlay_start_2:
0xb7: {  	(tag) =	ssettag $0x2  }
0xb8: {  	s0 =	rddreg [dreg:$0x0];
	s2 =	stileid.u32  }
0xb9: {  	s1 =	rddreg [dreg:$0x1];
	p0 =	sne.s32 s2, $0x0  }
0xba: {  	s3 =	rddreg [dreg:$0x2];
	[bflag:$0x3] =	sbarrier.arrive $0xFFFF;
	s2 =	simm.s32 @!p0 $0x1C02  }
0xbb: {  	[timem:s3], [sflag:s2] =	dma.local @!p0 [hbm:s0], s1  }
0xbc: {  	s0 =	simm.s32 @!p0 $0x2  }
0xbd: {  	_ =	swait.ge @!p0 [sflag:s0], s1  }
0xbe: {  	s1 =	ssub.s32 @!p0 $0x0, s1;
	[sflag:s0] =	ssyncset.done @!p0 $0x0  }
0xbf: {  	[sflag:s0] =	ssyncadd.s32 @!p0 s1  }
0xc0: {  	[bflag:$0x3] =	sbarrier.arrive $0xFFFF  }
0xc1: {  	_ =	shalt  }

</sc_bundles>
